<compile_context>
chip_gen: v7x
topology: tpu7x:2x2x1
jax: 0.10.2.dev20260603
libtpu: 0.0.44.dev20260713+nightly
codegen_flags: <defaults>
</compile_context>

<pallas_src>
import functools

import jax
import jax.numpy as jnp
from jax import lax
from jax.experimental import pallas as pl
from jax.experimental.pallas import tpu as pltpu
from jax.experimental.pallas import tpu_sc as plsc

jax.config.update("jax_enable_x64", True)

BATCH = 1024
NUM_VAR = 1000


@functools.cache
def _make_sc_label_gather():
    info = plsc.get_sparse_core_info()
    nc, ns, lanes = info.num_cores, info.num_subcores, info.num_lanes
    nw = nc * ns
    bpw = BATCH // nw
    mesh = plsc.VectorSubcoreMesh(core_axis_name="c", subcore_axis_name="s")

    @functools.partial(
        pl.kernel,
        mesh=mesh,
        out_type=jax.ShapeDtypeStruct((nw, lanes), jnp.float32),
        scratch_types=[
            pltpu.VMEM((bpw,), jnp.int32),
            pltpu.VMEM((bpw,), jnp.int32),
            pltpu.VMEM((bpw,), jnp.float32),
            pltpu.VMEM((lanes,), jnp.float32),
            pltpu.SemaphoreType.DMA,
        ],
    )
    def sc_label_gather(fs_flat, labels, out, lab_v, idx_v, g_v, psum_v, sem):
        wid = lax.axis_index("s") * nc + lax.axis_index("c")
        base = wid * bpw
        pltpu.sync_copy(labels.at[pl.ds(base, bpw)], lab_v)
        for c in range(bpw // lanes):
            rows = base + c * lanes + lax.iota(jnp.int32, lanes)
            idx_v[pl.ds(c * lanes, lanes)] = (
                rows * NUM_VAR + lab_v[pl.ds(c * lanes, lanes)])
        pltpu.async_copy(fs_flat.at[idx_v], g_v, sem).wait()
        acc = g_v[pl.ds(0, lanes)]
        for c in range(1, bpw // lanes):
            acc = acc + g_v[pl.ds(c * lanes, lanes)]
        psum_v[...] = acc
        pltpu.sync_copy(psum_v, out.at[wid])

    return sc_label_gather


_BB = 128
_GRID = BATCH // _BB


def _tc_body(fs_ref, out_ref):
    i = pl.program_id(0)
    x = fs_ref[...] * jnp.float32(1.0 / NUM_VAR)
    z = jnp.sum(jnp.exp(x), axis=1)
    lz = jnp.log(z)
    part = jnp.sum(lz) * jnp.float32(1.0 / BATCH)

    @pl.when(i == 0)
    def _():
        out_ref[...] = jnp.zeros_like(out_ref)

    out_ref[...] += jnp.full((1, 1), part, jnp.float32)


def _tc_logsumexp_mean(fs):
    return pl.pallas_call(
        _tc_body,
        grid=(_GRID,),
        in_specs=[
            pl.BlockSpec((_BB, NUM_VAR), lambda i: (i, i - i)),
        ],
        out_specs=pl.BlockSpec((1, 1), lambda i: (i - i, i - i)),
        out_shape=jax.ShapeDtypeStruct((1, 1), jnp.float32),
    )(fs)


def kernel(fs, labels, state_space, clique_vars, var_state_idx):
    fs = fs.astype(jnp.float32)
    g_part = _make_sc_label_gather()(
        jnp.reshape(fs, (-1,)), labels.astype(jnp.int32))
    lz_mean = _tc_logsumexp_mean(fs)[0, 0]
    loss32 = lz_mean - jnp.sum(g_part) * jnp.float32(1.0 / (NUM_VAR * BATCH))
    return loss32.astype(jnp.float64)

# --- scband reference (transcript-rebuilt; emitter-appended) ---
"""Pipeline reference for scband-hexloss-66640712564868 (READ-ONLY COPY).

The authoritative reference and input builder live on the scoring server;
editing this copy changes nothing except your own understanding.
"""

import jax, jax.numpy as jnp
import numpy as np

jax.config.update("jax_enable_x64", True)

NUM_VAR = 1000
BATCH = 1024


def setup_inputs(seed: int = 0) -> dict:
    key = jax.random.key(seed)
    k1, k2 = jax.random.split(key)
    fs = jax.random.normal(k1, (BATCH, NUM_VAR), dtype=jnp.float32)
    labels = jax.random.randint(k2, (BATCH,), 0, NUM_VAR).astype(jnp.int64)
    # Structural constants derived from the HEX junction tree (single exclusion
    # clique over all 1000 variables; legal states are the one-hot assignments).
    state_space = jnp.eye(NUM_VAR, dtype=jnp.float64)          # stateSpace[0,0]
    clique_vars = jnp.arange(NUM_VAR, dtype=jnp.int64)          # cliques[0,0]-1 (0-indexed)
    var_state_idx = jnp.arange(NUM_VAR, dtype=jnp.int64)        # varTable: state row where var v is active
    return {"fs": fs, "labels": labels, "state_space": state_space,
            "clique_vars": clique_vars, "var_state_idx": var_state_idx}


def reference(fs, labels, state_space, clique_vars, var_state_idx):
    num_var = state_space.shape[1]
    batch = fs.shape[0]
    # --- assignPotential ---
    eTable = fs.T.astype(jnp.float64) / jnp.float64(num_var)           # [V, B]
    gathered = jnp.take(eTable, clique_vars, axis=0)                    # index_select by clique vars
    potential = jnp.exp(state_space @ gathered)                         # [numStates, B]
    # --- messagePassing: root clique with no children; upward/downward loops
    # produce an empty neighbor-message stack, whose product over axis 0 is 1 ---
    messages = jnp.ones((0, potential.shape[0], batch), dtype=jnp.float64)
    # --- marginalProbability ---
    belief = potential * jnp.prod(messages, axis=0)                     # [numStates, B]
    z = jnp.sum(belief, axis=0)                                         # [B]
    pMargin = jnp.take(belief, var_state_idx, axis=0)                   # index_select of active states
    pMargin = pMargin / z                                               # [V, B]
    # --- per-sample NLL with the same skip conditions as the torch loop ---
    p_sel = pMargin[labels, jnp.arange(batch)]                          # gather(pMargin[:, i], label)
    valid = (p_sel != 0) & (z != 0) & (~jnp.isinf(z))
    safe = jnp.where(valid, p_sel, jnp.float64(1.0))
    loss = jnp.where(valid, -jnp.log(safe), jnp.float64(0.0))
    return jnp.mean(loss)

if __name__ == "__main__":
    import jax
    _d = setup_inputs()
    print(jax.jit(kernel)(*tuple(_d.values())))

</pallas_src>

<mosaic_0001>
#map = affine_map<(d0, d1) -> (0)>
#map1 = affine_map<(d0, d1) -> (0, 0)>
module attributes {stable_mosaic.version = 14 : i64} {
  func.func @sc_label_gather(%arg0: i32, %arg1: i32, %arg2: memref<1024000xf32, #tpu.memory_space<hbm>>, %arg3: memref<1024xi32, #tpu.memory_space<hbm>>, %arg4: memref<32x16xf32, #tpu.memory_space<hbm>>, %arg5: memref<32xi32, #tpu.memory_space<vmem>>, %arg6: memref<32xi32, #tpu.memory_space<vmem>>, %arg7: memref<32xf32, #tpu.memory_space<vmem>>, %arg8: memref<16xf32, #tpu.memory_space<vmem>>, %arg9: memref<!tpu.dma_semaphore, #tpu.memory_space<semaphore_mem>>) attributes {dimension_semantics = [#tpu.dimension_semantics<core_parallel>, #tpu.dimension_semantics<subcore_parallel>], iteration_bounds = array<i64: 2, 16>, scalar_prefetch = 0 : i64, scratch_operands = 5 : i64, tpu.core_type = #tpu.core_type<sc_vector_subcore>, window_params = [{transform_indices = #map}, {transform_indices = #map}, {transform_indices = #map1}]} {
    %mul3A = arith.constant 2 : i32
    %mul3A_0 = arith.muli %arg1, %mul3A : i32
    %add3A = arith.addi %mul3A_0, %arg0 : i32
    %mul3A_1 = arith.constant 32 : i32
    %mul3A_2 = arith.muli %add3A, %mul3A_1 : i32
    "tpu.region"() ({
      %run_scoped3A = tpu.sem_alloc : memref<!tpu.dma_semaphore, #tpu.memory_space<semaphore_mem>>
      %dma_start3A_45 = tpu.memref_slice %arg3[%mul3A_2] : memref<1024xi32, #tpu.memory_space<hbm>> -> memref<32xi32, #tpu.memory_space<hbm>>
      %dma_start3A_46 = tpu.memref_slice %arg3[%mul3A_2] : memref<1024xi32, #tpu.memory_space<hbm>> -> memref<32xi32, #tpu.memory_space<hbm>>
      tpu.enqueue_dma source(%dma_start3A_46 : memref<32xi32, #tpu.memory_space<hbm>>) target(%arg5 : memref<32xi32, #tpu.memory_space<vmem>>) target_semaphore(%run_scoped3A : memref<!tpu.dma_semaphore, #tpu.memory_space<semaphore_mem>>)
      %dma_wait3A_47 = tpu.memref_slice %arg3[%mul3A_2] : memref<1024xi32, #tpu.memory_space<hbm>> -> memref<32xi32, #tpu.memory_space<hbm>>
      %dma_wait3A_48 = tpu.memref_slice %arg3[%mul3A_2] : memref<1024xi32, #tpu.memory_space<hbm>> -> memref<32xi32, #tpu.memory_space<hbm>>
      tpu.wait_dma2 semaphore(%run_scoped3A : memref<!tpu.dma_semaphore, #tpu.memory_space<semaphore_mem>>) src(%dma_wait3A_48 : memref<32xi32, #tpu.memory_space<hbm>>) dst(%arg5 : memref<32xi32, #tpu.memory_space<vmem>>)
      tpu.yield
    }) : () -> ()
    %add3A_3 = arith.constant 0 : i32
    %add3A_4 = arith.addi %mul3A_2, %add3A_3 : i32
    %iota3A = tpu.iota {dimensions = array<i32: 0>} : vector<16xi32>
    %add3A_5 = vector.broadcast %add3A_4 : i32 to vector<16xi32>
    %add3A_6 = arith.addi %add3A_5, %iota3A : vector<16xi32>
    %mul3A_7 = arith.constant 1000 : i32
    %mul3A_8 = vector.broadcast %mul3A_7 : i32 to vector<16xi32>
    %mul3A_9 = arith.muli %add3A_6, %mul3A_8 : vector<16xi32>
    %get3A = arith.constant 0 : index
    %get3A_10 = tpu.vector_load %arg5[%get3A] {strides = array<i32>} : memref<32xi32, #tpu.memory_space<vmem>>, vector<16xi32>,
    %get3A_11 = vector.shape_cast %get3A_10 : vector<16xi32> to vector<16xi32>
    %add3A_12 = arith.addi %mul3A_9, %get3A_11 : vector<16xi32>
    %swap3A = arith.constant 0 : index
    %swap3A_13 = tpu.vector_load %arg6[%swap3A] {strides = array<i32>} : memref<32xi32, #tpu.memory_space<vmem>>, vector<16xi32>,
    %swap3A_14 = vector.shape_cast %swap3A_13 : vector<16xi32> to vector<16xi32>
    %swap3A_15 = vector.shape_cast %add3A_12 : vector<16xi32> to vector<16xi32>
    tpu.vector_store %arg6[%swap3A], %swap3A_15 {strides = array<i32>} : memref<32xi32, #tpu.memory_space<vmem>>, vector<16xi32>,
    %add3A_16 = arith.constant 16 : i32
    %add3A_17 = arith.addi %mul3A_2, %add3A_16 : i32
    %iota3A_18 = tpu.iota {dimensions = array<i32: 0>} : vector<16xi32>
    %add3A_19 = vector.broadcast %add3A_17 : i32 to vector<16xi32>
    %add3A_20 = arith.addi %add3A_19, %iota3A_18 : vector<16xi32>
    %mul3A_21 = arith.constant 1000 : i32
    %mul3A_22 = vector.broadcast %mul3A_21 : i32 to vector<16xi32>
    %mul3A_23 = arith.muli %add3A_20, %mul3A_22 : vector<16xi32>
    %get3A_24 = arith.constant 16 : index
    %get3A_25 = tpu.vector_load %arg5[%get3A_24] {strides = array<i32>} : memref<32xi32, #tpu.memory_space<vmem>>, vector<16xi32>,
    %get3A_26 = vector.shape_cast %get3A_25 : vector<16xi32> to vector<16xi32>
    %add3A_27 = arith.addi %mul3A_23, %get3A_26 : vector<16xi32>
    %swap3A_28 = arith.constant 16 : index
    %swap3A_29 = tpu.vector_load %arg6[%swap3A_28] {strides = array<i32>} : memref<32xi32, #tpu.memory_space<vmem>>, vector<16xi32>,
    %swap3A_30 = vector.shape_cast %swap3A_29 : vector<16xi32> to vector<16xi32>
    %swap3A_31 = vector.shape_cast %add3A_27 : vector<16xi32> to vector<16xi32>
    tpu.vector_store %arg6[%swap3A_28], %swap3A_31 {strides = array<i32>} : memref<32xi32, #tpu.memory_space<vmem>>, vector<16xi32>,
    %dma_start3A = arith.constant 0 : i32
    %dma_start3A_32 = tpu.memref_slice %arg2[%dma_start3A] : memref<1024000xf32, #tpu.memory_space<hbm>> -> memref<1024000xf32, #tpu.memory_space<hbm>>
    tpu.enqueue_indirect_dma source(%dma_start3A_32 : memref<1024000xf32, #tpu.memory_space<hbm>>) target(%arg7 : memref<32xf32, #tpu.memory_space<vmem>>) offsets(%arg6 : memref<32xi32, #tpu.memory_space<vmem>>) semaphore(%arg9 : memref<!tpu.dma_semaphore, #tpu.memory_space<semaphore_mem>>)
    %dma_wait3A = arith.constant 0 : i32
    %dma_wait3A_33 = tpu.memref_slice %arg2[%dma_wait3A] : memref<1024000xf32, #tpu.memory_space<hbm>> -> memref<1024000xf32, #tpu.memory_space<hbm>>
    tpu.wait_indirect_dma semaphore(%arg9 : memref<!tpu.dma_semaphore, #tpu.memory_space<semaphore_mem>>) src(%dma_wait3A_33 : memref<1024000xf32, #tpu.memory_space<hbm>>) dst(%arg7 : memref<32xf32, #tpu.memory_space<vmem>>)
    %get3A_34 = arith.constant 0 : index
    %get3A_35 = tpu.vector_load %arg7[%get3A_34] {strides = array<i32>} : memref<32xf32, #tpu.memory_space<vmem>>, vector<16xf32>,
    %get3A_36 = vector.shape_cast %get3A_35 : vector<16xf32> to vector<16xf32>
    %get3A_37 = arith.constant 16 : index
    %get3A_38 = tpu.vector_load %arg7[%get3A_37] {strides = array<i32>} : memref<32xf32, #tpu.memory_space<vmem>>, vector<16xf32>,
    %get3A_39 = vector.shape_cast %get3A_38 : vector<16xf32> to vector<16xf32>
    %add3A_40 = arith.addf %get3A_36, %get3A_39 : vector<16xf32>
    %swap3A_41 = arith.constant 0 : index
    %swap3A_42 = tpu.vector_load %arg8[%swap3A_41] {strides = array<i32>} : memref<16xf32, #tpu.memory_space<vmem>>, vector<16xf32>,
    %swap3A_43 = vector.shape_cast %swap3A_42 : vector<16xf32> to vector<16xf32>
    %swap3A_44 = vector.shape_cast %add3A_40 : vector<16xf32> to vector<16xf32>
    tpu.vector_store %arg8[%swap3A_41], %swap3A_44 {strides = array<i32>} : memref<16xf32, #tpu.memory_space<vmem>>, vector<16xf32>,
    "tpu.region"() ({
      %run_scoped3A = tpu.sem_alloc : memref<!tpu.dma_semaphore, #tpu.memory_space<semaphore_mem>>
      %dma_start3A_45 = arith.constant 0 : i32
      %dma_start3A_46 = tpu.memref_slice %arg4[%add3A, %dma_start3A_45] : memref<32x16xf32, #tpu.memory_space<hbm>> -> memref<1x16xf32, #tpu.memory_space<hbm>>
      %dma_start3A_47 = tpu.memref_squeeze %dma_start3A_46 : memref<1x16xf32, #tpu.memory_space<hbm>> -> memref<16xf32, #tpu.memory_space<hbm>>
      %dma_start3A_48 = arith.constant 0 : i32
      %dma_start3A_49 = tpu.memref_slice %arg4[%add3A, %dma_start3A_48] : memref<32x16xf32, #tpu.memory_space<hbm>> -> memref<1x16xf32, #tpu.memory_space<hbm>>
      %dma_start3A_50 = tpu.memref_squeeze %dma_start3A_49 : memref<1x16xf32, #tpu.memory_space<hbm>> -> memref<16xf32, #tpu.memory_space<hbm>>
      tpu.enqueue_dma source(%arg8 : memref<16xf32, #tpu.memory_space<vmem>>) target(%dma_start3A_50 : memref<16xf32, #tpu.memory_space<hbm>>) target_semaphore(%run_scoped3A : memref<!tpu.dma_semaphore, #tpu.memory_space<semaphore_mem>>)
      %dma_wait3A_51 = arith.constant 0 : i32
      %dma_wait3A_52 = tpu.memref_slice %arg4[%add3A, %dma_wait3A_51] : memref<32x16xf32, #tpu.memory_space<hbm>> -> memref<1x16xf32, #tpu.memory_space<hbm>>
      %dma_wait3A_53 = tpu.memref_squeeze %dma_wait3A_52 : memref<1x16xf32, #tpu.memory_space<hbm>> -> memref<16xf32, #tpu.memory_space<hbm>>
      %dma_wait3A_54 = arith.constant 0 : i32
      %dma_wait3A_55 = tpu.memref_slice %arg4[%add3A, %dma_wait3A_54] : memref<32x16xf32, #tpu.memory_space<hbm>> -> memref<1x16xf32, #tpu.memory_space<hbm>>
      %dma_wait3A_56 = tpu.memref_squeeze %dma_wait3A_55 : memref<1x16xf32, #tpu.memory_space<hbm>> -> memref<16xf32, #tpu.memory_space<hbm>>
      tpu.wait_dma2 semaphore(%run_scoped3A : memref<!tpu.dma_semaphore, #tpu.memory_space<semaphore_mem>>) src(%arg8 : memref<16xf32, #tpu.memory_space<vmem>>) dst(%dma_wait3A_56 : memref<16xf32, #tpu.memory_space<hbm>>)
      tpu.yield
    }) : () -> ()
    return
  }
}

module attributes {stable_mosaic.version = 14 : i64} {
  func.func @_tc_body(%arg0: i32, %arg1: memref<128x1000xf32, #tpu.memory_space<vmem>>, %arg2: memref<1x1xf32, #tpu.memory_space<vmem>>) attributes {dimension_semantics = [#tpu.dimension_semantics<arbitrary>], iteration_bounds = array<i64: 8>, scalar_prefetch = 0 : i64, scratch_operands = 0 : i64, tpu.core_type = #tpu.core_type<tc>, window_params = [{transform_indices = @transform_0, window_bounds = array<i64: 128, 1000>}, {transform_indices = @transform_1, window_bounds = array<i64: 1, 1>}]} {
    %get3A = arith.constant 0 : index
    %get3A_0 = arith.constant 0 : index
    %get3A_1 = vector.load %arg1[%get3A, %get3A_0] : memref<128x1000xf32, #tpu.memory_space<vmem>>, vector<128x1000xf32>
    %mul3A = arith.constant 1.000000e-03 : f32
    %mul3A_2 = vector.broadcast %mul3A : f32 to vector<128x1000xf32>
    %mul3A_3 = arith.mulf %get3A_1, %mul3A_2 : vector<128x1000xf32>
    %exp3A = math.exp %mul3A_3 : vector<128x1000xf32>
    %reduce_sum3A = arith.constant dense<0.000000e+00> : vector<128xf32>
    %reduce_sum3A_4 = vector.multi_reduction <add>, %exp3A, %reduce_sum3A [1] : vector<128x1000xf32> to vector<128xf32>
    %log3A = math.log %reduce_sum3A_4 : vector<128xf32>
    %reduce_sum3A_5 = vector.shape_cast %log3A : vector<128xf32> to vector<1x128xf32>
    %reduce_sum3A_6 = arith.constant dense<0.000000e+00> : vector<1xf32>
    %reduce_sum3A_7 = vector.multi_reduction <add>, %reduce_sum3A_5, %reduce_sum3A_6 [1] : vector<1x128xf32> to vector<1xf32>
    %reduce_sum3A_8 = vector.shape_cast %reduce_sum3A_7 : vector<1xf32> to vector<1x1xf32>
    %reduce_sum3A_9 = vector.extract %reduce_sum3A_8[0, 0] : f32 from vector<1x1xf32>
    %mul3A_10 = arith.constant 9.765625E-4 : f32
    %mul3A_11 = arith.mulf %reduce_sum3A_9, %mul3A_10 : f32
    %eq3A = arith.constant 0 : i32
    %eq3A_12 = arith.cmpi eq, %arg0, %eq3A : i32
    %convert_element_type3A = arith.extui %eq3A_12 : i1 to i32
    %cond3A = arith.constant 0 : i32
    %cond3A_13 = arith.cmpi ne, %convert_element_type3A, %cond3A : i32
    scf.if %cond3A_13 {
      %broadcast_in_dim3A_19 = arith.constant 0.000000e+00 : f32
      %broadcast_in_dim3A_20 = vector.broadcast %broadcast_in_dim3A_19 : f32 to vector<1x1xf32>
      %swap3A_21 = arith.constant 0 : index
      %swap3A_22 = arith.constant 0 : index
      %swap3A_23 = vector.load %arg2[%swap3A_21, %swap3A_22] : memref<1x1xf32, #tpu.memory_space<vmem>>, vector<1x1xf32>
      tpu.vector_store %arg2[%swap3A_21, %swap3A_22], %broadcast_in_dim3A_20 {strides = array<i32>} : memref<1x1xf32, #tpu.memory_space<vmem>>, vector<1x1xf32>,
    } else {
    }
    %get3A_14 = arith.constant 0 : index
    %get3A_15 = arith.constant 0 : index
    %get3A_16 = vector.load %arg2[%get3A_14, %get3A_15] : memref<1x1xf32, #tpu.memory_space<vmem>>, vector<1x1xf32>
    %broadcast_in_dim3A = vector.broadcast %mul3A_11 : f32 to vector<1x1xf32>
    %add3A = arith.addf %get3A_16, %broadcast_in_dim3A : vector<1x1xf32>
    %swap3A = arith.constant 0 : index
    %swap3A_17 = arith.constant 0 : index
    %swap3A_18 = vector.load %arg2[%swap3A, %swap3A_17] : memref<1x1xf32, #tpu.memory_space<vmem>>, vector<1x1xf32>
    tpu.vector_store %arg2[%swap3A, %swap3A_17], %add3A {strides = array<i32>} : memref<1x1xf32, #tpu.memory_space<vmem>>, vector<1x1xf32>,
    return
  }
  func.func @transform_0(%arg0: i32) -> (i32, i32) {
    %sub3A = arith.subi %arg0, %arg0 : i32
    %c0_i32 = arith.constant 0 : i32
    return %arg0, %sub3A : i32, i32
  }
  func.func @transform_1(%arg0: i32) -> (i32, i32) {
    %sub3A = arith.subi %arg0, %arg0 : i32
    %sub3A_0 = arith.subi %arg0, %arg0 : i32
    %c0_i32 = arith.constant 0 : i32
    return %sub3A, %sub3A_0 : i32, i32
  }
}

</mosaic_0001>

<sc_bundles>
// kernel: kernel.4.cloned.1.call-start
scs
__scs_entry_jumppad:
0x0: {  	(pc) =	sbr.rel $0x88, $3  }
0x1: {  	(tag) =	ssettag $0x0;
	lr =	simm.s32 $0x1  }
0x2: {  	[smem:$0x3F9F] =	sst lr;
	_ =	strace $0xD0000000  }
0x3: {  	_ = 	snop  }
0x4: {  	_ = 	snop  }
0x5: {  	_ = 	snop  }
0x6: {  	_ = 	snop  }
0x7: {  	_ = 	snop  }
__scs_overlays_trampoline_lowered:
0x8: {  	[smem:$0x3FAE] =	sst s0  }
0x9: {  	[smem:$0x3FAF] =	sst s1  }
0xa: {  	[smem:$0x3FB0] =	sst s2  }
0xb: {  	[smem:$0x3FB1] =	sst s3  }
0xc: {  	[smem:$0x3FB2] =	sst s4  }
0xd: {  	[smem:$0x3FB3] =	sst s5  }
0xe: {  	[smem:$0x3FB4] =	sst s6  }
0xf: {  	[smem:$0x3FB5] =	sst s7  }
0x10: {  	[smem:$0x3FB6] =	sst s8  }
0x11: {  	[smem:$0x3FB7] =	sst s9;
	s0 =	simm.s32 @!p0 $0x0  }
0x12: {  	s1 =	sld [smem:$0x3F9D];
	s0 =	simm.s32 @p0 $0x1  }
0x13: {  	[smem:$0x3FB8] =	sst s0;
	s0 =	simm.s32 @!p1 $0x0  }
0x14: {  	s2 =	sld [smem:$0x3F9C];
	s0 =	simm.s32 @p1 $0x1  }
0x15: {  	[smem:$0x3FB9] =	sst s0;
	s0 =	simm.s32 @!p2 $0x0  }
0x16: {  	s3 =	sld [smem:$0x3FDB];
	s0 =	simm.s32 @p2 $0x1  }
0x17: {  	s4 =	simm.s32 $0x1BF5;
	[smem:$0x3FBB] =	sst s0  }
0x18: {  	s0 =	sld [smem:$0x3F9E];
	_ =	swait.ge [sflag:s4], $0x0  }
0x19: {  	s7 =	sld [smem:$0x3F9F]  }
0x1a: {  	s8 =	sadd.s32 $0xFFFFE003, lr  }
0x1b: {  	s9 =	sadd.s32 $0xFFFFFEF7, lr;
	s5 =	simm.s32 $0xFFFFFFFF;
	p2 =	slt.u32 s8, $0xFFFFF086  }
0x1c: {  	p1 =	slt.u32 s9, $0xF7A;
	s5 =	simm.s32 @!p2 $0x0  }
0x1d: {  	s5 =	simm.s32 @p1 $0x1;
	p0 =	seq.s32 s7, s2  }
0x1e: {  	s7 =	smul.u32 @!p0 $0xF7A, s2;
	p2 =	seq.s32 @!p0 s5, $0x0  }
0x1f: {  	s9 =	smul.u32 $0xF7A, s1;
	s8 =	simm.s32 @!p0 $0x1BF5;
	p2 =	por !p2, p0  }
0x20: {  	[sflag:s8] =	ssyncset.s32 @!p0 $0xFFFFF086;
	s6 =	sadd.s32 @!p0 s3, s7;
	s7 =	simm.s32 @!p0 $0x108  }
0x21: {  	s3 =	sadd.s32 s3, s9;
	s6 =	sadd.s32 @!p0 $0x88, s6;
	s7 =	simm.s32 @p2 $0x1082  }
0x22: {  	[simem:s7], [sflag:s8] =	dma.local @!p0 [hbm:s6], $0xF7A  }
0x23: {  	s9 =	sor.u32 $0xD0000000, s2;
	s6 =	simm.s32 $0x108;
	_ =	swait.ge @!p0 [sflag:s8], $0x0  }
0x24: {  	s3 =	sadd.s32 $0x88, s3;
	s6 =	simm.s32 @!p1 $0x1082;
	[sflag:s4] =	ssyncset.s32 $0xFFFFF086  }
0x25: {  	[simem:s6], [sflag:s4] =	dma.local [hbm:s3], $0xF7A  }
0x26: {  	[smem:$0x3F9F] =	sst s1;
	(tag) =	ssettag s2;
	_ =	strace s9  }
0x27: {  	s1 =	sld [smem:$0x3FAF]  }
0x28: {  	s2 =	sld [smem:$0x3FB0]  }
0x29: {  	s4 =	sld [smem:$0x3FB2]  }
0x2a: {  	p0 =	seq.s32 s5, $0x0;
	s5 =	sld [smem:$0x3FB3]  }
0x2b: {  	s6 =	sld [smem:$0x3FB4]  }
0x2c: {  	s7 =	sld [smem:$0x3FB5]  }
0x2d: {  	s3 =	simm.s32 $0x108;
	s8 =	sld [smem:$0x3FB6]  }
0x2e: {  	s3 =	simm.s32 @!p0 $0x1082;
	s9 =	sld [smem:$0x3FB7]  }
0x2f: {  	lr =	sadd.s32 s0, s3;
	s0 =	sld [smem:$0x3FAE]  }
0x30: {  	s3 =	sld [smem:$0x3FB1]  }
0x31: {  	[smem:$0x3FBA] =	sst s10  }
0x32: {  	s10 =	sld [smem:$0x3FB8];
	_ =	sdelay $0x3  }
0x33: {  	p0 =	seq.s32 s10, $0x1;
	s10 =	sld [smem:$0x3FBA];
	_ =	sdelay $0x3  }
0x34: {  	[smem:$0x3FBA] =	sst s10  }
0x35: {  	s10 =	sld [smem:$0x3FB9];
	_ =	sdelay $0x3  }
0x36: {  	p1 =	seq.s32 s10, $0x1;
	s10 =	sld [smem:$0x3FBA];
	_ =	sdelay $0x3  }
0x37: {  	[smem:$0x3FBA] =	sst s10  }
0x38: {  	s10 =	sld [smem:$0x3FBB]  }
0x39: {  	_ = 	snop;
	(pc) =	sbr.ind lr, $3  }
0x3a: {  	_ = 	snop  }
0x3b: {  	_ = 	snop  }
0x3c: {  	p2 =	seq.s32 s10, $0x1;
	s10 =	sld [smem:$0x3FBA]  }
0x3d: {  	_ =	shalt  }
0x3e: {  	_ =	shalt  }
0x3f: {  	_ =	shalt  }
0x40: {  	_ =	shalt  }
0x41: {  	_ =	shalt  }
0x42: {  	_ =	shalt  }
0x43: {  	_ =	shalt  }
0x44: {  	_ =	shalt  }
0x45: {  	_ =	shalt  }
0x46: {  	_ =	shalt  }
0x47: {  	_ =	shalt  }
0x48: {  	_ =	shalt  }
0x49: {  	_ =	shalt  }
0x4a: {  	_ =	shalt  }
0x4b: {  	_ =	shalt  }
0x4c: {  	_ =	shalt  }
0x4d: {  	_ =	shalt  }
0x4e: {  	_ =	shalt  }
0x4f: {  	_ =	shalt  }
0x50: {  	_ =	shalt  }
0x51: {  	_ =	shalt  }
0x52: {  	_ =	shalt  }
0x53: {  	_ =	shalt  }
0x54: {  	_ =	shalt  }
0x55: {  	_ =	shalt  }
0x56: {  	_ =	shalt  }
0x57: {  	_ =	shalt  }
0x58: {  	_ =	shalt  }
0x59: {  	_ =	shalt  }
0x5a: {  	_ =	shalt  }
0x5b: {  	_ =	shalt  }
0x5c: {  	_ =	shalt  }
0x5d: {  	_ =	shalt  }
0x5e: {  	_ =	shalt  }
0x5f: {  	_ =	shalt  }
0x60: {  	_ =	shalt  }
0x61: {  	_ =	shalt  }
0x62: {  	_ =	shalt  }
0x63: {  	_ =	shalt  }
0x64: {  	_ =	shalt  }
0x65: {  	_ =	shalt  }
0x66: {  	_ =	shalt  }
0x67: {  	_ =	shalt  }
0x68: {  	_ =	shalt  }
0x69: {  	_ =	shalt  }
0x6a: {  	_ =	shalt  }
0x6b: {  	_ =	shalt  }
0x6c: {  	_ =	shalt  }
0x6d: {  	_ =	shalt  }
0x6e: {  	_ =	shalt  }
0x6f: {  	_ =	shalt  }
0x70: {  	_ =	shalt  }
0x71: {  	_ =	shalt  }
0x72: {  	_ =	shalt  }
0x73: {  	_ =	shalt  }
0x74: {  	_ =	shalt  }
0x75: {  	_ =	shalt  }
0x76: {  	_ =	shalt  }
0x77: {  	_ =	shalt  }
0x78: {  	_ =	shalt  }
0x79: {  	_ =	shalt  }
0x7a: {  	_ =	shalt  }
0x7b: {  	_ =	shalt  }
0x7c: {  	_ =	shalt  }
0x7d: {  	_ =	shalt  }
0x7e: {  	_ =	shalt  }
0x7f: {  	_ =	shalt  }
0x80: {  	_ =	shalt  }
0x81: {  	_ =	shalt  }
0x82: {  	_ =	shalt  }
0x83: {  	_ =	shalt  }
0x84: {  	_ =	shalt  }
0x85: {  	_ =	shalt  }
0x86: {  	_ =	shalt  }
0x87: {  	_ =	shalt  }
.Lfunc_end0:
.L_simem_size_0:
called_computation_lowered:
.L_overlay_start_0:
0x88: {  	s2 =	sld [smem:$0x3FD9]  }
0x89: {  	s3 =	sld [smem:$0x3FFE];
	_ =	sdelay $0x1  }
0x8a: {  	s1 =	srdreg.scid  }
0x8b: {  	s0 =	sand.u32 $0x1, s1  }
0x8c: {  	s16 =	sshll.u32 s0, $0xA;
	s2 =	sadd.s32 s3, s2  }
0x8d: {  	s2 =	sadd.s32 s2, s16  }
0x8e: {  	[smem:$0x3FC6] =	sst s2  }
0x8f: {  	_ = 	snop  }
0x90: {  	(tm) =	ssettm $0x1  }
0x91: {  	s17 =	sld [smem:$0x3FFB];
	_ =	sdelay $0x3  }
0x92: {  	_ =	strace s17  }
0x93: {  	s2 =	sld [smem:$0x3FFC];
	_ =	sdelay $0x3  }
0x94: {  	_ =	strace s2  }
0x95: {  	s2 =	sld [smem:$0x3FFD];
	_ =	sdelay $0x3  }
0x96: {  	_ =	strace s2  }
0x97: {  	_ =	strace $0x8FFFFFFF  }
0x98: {  	s18 =	sld [smem:$0x3FDB];
	_ =	sdelay $0x1  }
0x99: {  	s19 =	simm.s32 $_scs_section_size  }
0x9a: {  	s4 =	simm.s32 $_size__tile_overlayer_lowered;
	s5 =	simm.s32 $_tile_overlayer_lowered  }
0x9b: {  	s22 =	simm.s32 $0x1BFF;
	s21 =	sshll.u32 s5, $0x1;
	s2 =	sadd.s32 s19, s18  }
0x9c: {  	s6 =	simm.s32 $0x0;
	s20 =	sshll.u32 s4, $0x1;
	s4 =	sadd.s32 s21, s2  }
0x9d: {  	[timem:s6], [sflag:s22] =	dma.local [hbm:s4], s20  }
0x9e: {  	_ =	swait.ge [sflag:s22], s20  }
0x9f: {  	s3 =	ssub.s32 $0x0, s20;
	[sflag:s22] =	ssyncset.done $0x0  }
0xa0: {  	[sflag:s22] =	ssyncadd.s32 s3;
	_ =	sdelay $0x1  }
0xa1: {  	s23 =	simm.s32 $0x1B8B  }
0xa2: {  	_ =	swait.ge [sflag:s23], $0x1  }
0xa3: {  	[sflag:s23] =	ssyncset.done $0x0  }
0xa4: {  	s25 =	simm.s32 $0x1B8E;
	s24 =	sld [smem:$0x3FFE];
	[sflag:s23] =	ssyncadd.s32 $0xFFFFFFFF  }
0xa5: {  	s26 =	simm.s32 $execute0_lowered;
	[smem:$0x3FD2] =	sst s25  }
0xa6: {  	s4 =	sshll.u32 s26, $0x1;
	_ =	strace $0x80000046;
	[dreg:$0x1] =	wrdreg $0xFFFFFFFF  }
0xa7: {  	s28 =	simm.s32 $_size_execute0_lowered;
	s2 =	sadd.s32 s2, s4;
	[dreg:$0x0] =	wrdreg $0x0  }
0xa8: {  	s4 =	sshll.u32 s28, $0x1;
	[dreg:$0x2] =	wrdreg s2  }
0xa9: {  	[dreg:$0x3] =	wrdreg s4  }
0xaa: {  	[dreg:$0x4] =	wrdreg $0xC0  }
0xab: {  	_ =	task [dreg:s6], $0x5FFFF  }
0xac: {  	[dreg:$0x1] =	wrdreg $0xFFFFFFFF  }
0xad: {  	[dreg:$0x0] =	wrdreg $0x60  }
0xae: {  	[dreg:$0x2] =	wrdreg s24  }
0xaf: {  	[dreg:$0x3] =	wrdreg $0x9  }
0xb0: {  	_ =	task.clear_ibuf [dreg:s6], $0x4FFFF;
	_ =	strace $0x90000046  }
0xb1: {  	s29 =	simm.s32 $0x9;
	_ =	strace $0x80000048  }
0xb2: {  	_ =	swait.ge [sflag:s29], $0x1  }
0xb3: {  	[sflag:s29] =	ssyncadd.s32 $0xFFFFFFFF  }
0xb4: {  	_ =	strace $0x90000048  }
0xb5: {  	_ =	sfence  }
0xb6: {  	s30 =	sld [smem:$0x0];
	_ =	sdelay $0x2  }
0xb7: {  	s31 =	sshll.u32 s1, $0xD;
	s1 =	sshrl.u32 s1, $0x2  }
0xb8: {  	s3 =	sand.u32 $0x4000, s31;
	s1 =	sadd.s32 s1, s30  }
0xb9: {  	s0 =	sor.u32 s3, s0;
	s1 =	sshll.u32 s1, $0x11  }
0xba: {  	s0 =	sor.u32 s1, s0  }
0xbb: {  	s0 =	sadd.s32 $0x8F2B, s0  }
0xbc: {  	[sflag:s0] =	ssyncadd.remote.s32 $0x1  }
0xbd: {  	_ =	sfence.sel $0xFFFF  }
0xbe: {  	[dreg:$0x0] =	wrdreg $0xFFFFFFFF;
	(pc) =	sbr.abs _section_cstart, $3  }
0xbf: {  	[dreg:$0x1] =	wrdreg $0xFFFFFFFF  }
0xc0: {  	_ =	task.clear_ibuf [dreg:s6], $0x2FFFF;
	_ =	strace $0x9FFFFFFF  }
0xc1: {  	(tm) =	ssettm $0x7FFFFFFF  }
tec
execute0_lowered:
.L_overlay_start_1:
0x0: {  	(tag) =	ssettag $0x1  }
0x1: {  	s1 =	srdreg.scid;
	s0 =	stileid.u32  }
0x2: {  	s10 =	sand.u32 $0x1, s1;
	s31 =	sshll.u32 s0, $0x1  }
0x3: {  	s2 =	rddreg [dreg:$0x0];
	s11 =	sor.u32 s10, s31  }
0x4: {  	s3 =	simm.s32 $0x0;
	s1 =	rddreg [dreg:$0x1];
	s4 =	sshll.u32 s11, $0x2  }
0x5: {  	[smem:$0x7FF] =	sst s3;
	s4 =	sadd.s32 s4, s2  }
0x6: {  	_ =	strace $0x80000047;
	s5 =	sadd.s32 $0x1F400, s4;
	s4 =	simm.s32 $0x2  }
0x7: {  	[tilespmem:s3], [sflag:$0x2] =	stream.linear.gather [hbm4b:s5+s3], $0x20, $0x38;
	[tilespmem:$0x200] =	vst v63  }
0x8: {  	_ =	swait.ge [sflag:s4], $0x20  }
0x9: {  	s6 =	sshll.u32 s11, $0x5;
	[sflag:s4] =	ssyncset.done $0x0  }
0xa: {  	v0 =	vmov s6;
	s6 =	sor.u32 $0x10, s6;
	[sflag:s4] =	ssyncadd.s32 $0xFFFFFFE0  }
0xb: {  	v0 =	vmul.u32 $0x3E8, v0;
	v1 =	vmov s6;
	v2 =	vld [tilespmem:$0x0]  }
0xc: {  	v3 =	vlaneseq.u32;
	v1 =	vmul.u32 $0x3E8, v1;
	v4 =	vld [tilespmem:$0x10]  }
0xd: {  	v3 =	vmul.u32 $0x3E8, v3;
	v0 =	vbroadcast v0, $0x0  }
0xe: {  	v1 =	vbroadcast v1, $0x0  }
0xf: {  	v0 =	vadd.s32 v3, v0  }
0x10: {  	v1 =	vadd.s32 v3, v1;
	v2 =	vadd.s32 v2, v0  }
0x11: {  	s7 =	simm.s32 $0x80;
	[tilespmem:$0x80] =	vst v2;
	v2 =	vadd.s32 v4, v1  }
0x12: {  	s8 =	simm.s32 $0x100;
	s9 =	simm.s32 $0x1;
	s6 =	simm.s32 $0x20;
	[tilespmem:$0x90] =	vst v2  }
0x13: {  	[tilespmem:s8], [sflag:$0x1] =	stream.indirect.gather [hbm4b:s2+s6], $0x1, s7, s6, $0xb8;
	[tilespmem:$0x200] =	vst v63  }
0x14: {  	_ =	swait.ge [sflag:s9], $0x20  }
0x15: {  	[sflag:s9] =	ssyncset.done $0x0  }
0x16: {  	[sflag:s9] =	ssyncadd.s32 $0xFFFFFFE0  }
0x17: {  	s10 =	ssub.s32 $0x2, s10;
	v2 =	vld [tilespmem:$0x100]  }
0x18: {  	s12 =	sshrl.u32 s10, $0x1;
	v3 =	vld [tilespmem:$0x110]  }
0x19: {  	s12 =	ssub.s32 s10, s12  }
0x1a: {  	s12 =	smax.u32 s12, $0x1  }
0x1b: {  	p0 =	sne.s32 s12, $0x1  }
.Ltmp0:
0x1c: {  	_ = 	snop;
	(pc) =	sbr.rel @!p0 .LBB2_2-.Ltmp0, $4  }
0x1d: {  	s11 =	sshll.u32 s11, $0x4;
	v2 =	vadd.f32 v3, v2  }
0x1e: {  	s11 =	sadd.s32 s11, s2  }
0x1f: {  	s10 =	sadd.s32 $0x1F600, s11;
	s11 =	simm.s32 $0x180;
	s12 =	sadd.s32 $0xFFFFFFFF, s12;
	[tilespmem:$0x180] =	vst v2  }
0x20: {  	[hbm4b:s10+s3] =	stream.linear.scatter [tilespmem:s11], [sflag:$0x2], $0x80, $0x38;
	[tilespmem:$0x200] =	vst v63  }
.LBB2_1:
0x21: {  	p0 =	sne.s32 s12, $0x1;
	s12 =	sadd.s32 $0xFFFFFFFF, s12;
	_ =	swait.ge [sflag:s4], $0x80  }
0x22: {  	[sflag:s4] =	ssyncset.done $0x0  }
0x23: {  	[sflag:s4] =	ssyncadd.s32 $0xFFFFFF80  }
0x24: {  	[tilespmem:s3], [sflag:$0x2] =	stream.linear.gather [hbm4b:s5+s3], $0x20, $0x38;
	[tilespmem:$0x200] =	vst v63  }
0x25: {  	_ =	swait.ge [sflag:s4], $0x20  }
0x26: {  	[sflag:s4] =	ssyncset.done $0x0  }
0x27: {  	[sflag:s4] =	ssyncadd.s32 $0xFFFFFFE0  }
0x28: {  	v2 =	vld [tilespmem:$0x0]  }
0x29: {  	v3 =	vld [tilespmem:$0x10];
	_ =	sdelay $0x3  }
0x2a: {  	v2 =	vadd.s32 v2, v0  }
0x2b: {  	[tilespmem:$0x80] =	vst v2;
	v2 =	vadd.s32 v3, v1  }
0x2c: {  	[tilespmem:$0x90] =	vst v2  }
0x2d: {  	[tilespmem:s8], [sflag:$0x1] =	stream.indirect.gather [hbm4b:s2+s6], $0x1, s7, s6, $0xb8;
	[tilespmem:$0x200] =	vst v63  }
0x2e: {  	_ =	swait.ge [sflag:s9], $0x20  }
0x2f: {  	[sflag:s9] =	ssyncset.done $0x0  }
0x30: {  	[sflag:s9] =	ssyncadd.s32 $0xFFFFFFE0  }
0x31: {  	v2 =	vld [tilespmem:$0x100]  }
0x32: {  	v3 =	vld [tilespmem:$0x110];
	_ =	sdelay $0x3  }
.Ltmp1:
0x33: {  	(pc) =	sbr.rel @p0 .LBB2_1-.Ltmp1, $3  }
0x34: {  	v2 =	vadd.f32 v3, v2;
	_ =	sdelay $0x1  }
0x35: {  	[tilespmem:$0x180] =	vst v2  }
0x36: {  	[hbm4b:s10+s3] =	stream.linear.scatter [tilespmem:s11], [sflag:$0x2], $0x80, $0x38;
	[tilespmem:$0x200] =	vst v63  }
.LBB2_2:
0x37: {  	_ =	swait.ge [sflag:s4], $0x80  }
0x38: {  	[sflag:s4] =	ssyncset.done $0x0  }
0x39: {  	[sflag:s4] =	ssyncadd.s32 $0xFFFFFF80  }
0x3a: {  	_ =	sfence.sel $0x180000  }
0x3b: {  	[bflag:$0x0] =	sbarrier.arrive $0xFFFF  }
0x3c: {  	p0 =	sne.s32 s0, $0x0;
	_ =	strace $0x90000047  }
0x3d: {  	s0 =	sadd.s32 @!p0 $0x100000, s1;
	[bflag:$0x2] =	sbarrier.arrive $0xFFFF  }
0x3e: {  	[sflag:s0] =	ssyncadd.tile.s32 @!p0 $0x1;
	_ =	shalt  }
.Lfunc_end2:
_tile_overlayer_lowered:
.L_overlay_start_2:
0x3f: {  	(tag) =	ssettag $0x2  }
0x40: {  	s0 =	rddreg [dreg:$0x0];
	s2 =	stileid.u32  }
0x41: {  	s1 =	rddreg [dreg:$0x1];
	p0 =	sne.s32 s2, $0x0  }
0x42: {  	s3 =	rddreg [dreg:$0x2];
	[bflag:$0x3] =	sbarrier.arrive $0xFFFF;
	s2 =	simm.s32 @!p0 $0x1C02  }
0x43: {  	[timem:s3], [sflag:s2] =	dma.local @!p0 [hbm:s0], s1  }
0x44: {  	s0 =	simm.s32 @!p0 $0x2  }
0x45: {  	_ =	swait.ge @!p0 [sflag:s0], s1  }
0x46: {  	s1 =	ssub.s32 @!p0 $0x0, s1;
	[sflag:s0] =	ssyncset.done @!p0 $0x0  }
0x47: {  	[sflag:s0] =	ssyncadd.s32 @!p0 s1  }
0x48: {  	[bflag:$0x3] =	sbarrier.arrive $0xFFFF  }
0x49: {  	_ =	shalt  }

</sc_bundles>
